<compile_context>
chip_gen: v7x
topology: tpu7x:2x2x1
jax: 0.10.2.dev20260603
libtpu: 0.0.44.dev20260713+nightly
codegen_flags: <defaults>
</compile_context>

<pallas_src>
import functools

import jax
import jax.numpy as jnp
from jax.experimental import pallas as pl
from jax.experimental.pallas import tpu as pltpu

_N_BLOCK = 1000


def _hosvd_body(nh_ref, u0e_ref, u1e_ref, u2e_ref, u3e_ref,
                gblk_ref, sublk_ref, out_ref):
    h = 256
    nh = nh_ref[...].astype(jnp.bfloat16)
    h0 = nh[:, 0 * h:1 * h]
    h1 = nh[:, 1 * h:2 * h]
    h2 = nh[:, 2 * h:3 * h]
    h3 = nh[:, 3 * h:4 * h]
    dot = functools.partial(jnp.dot, preferred_element_type=jnp.float32)
    a1 = dot(h1, u1e_ref[...])
    a2 = dot(h2, u2e_ref[...])
    a3 = dot(h3, u3e_ref[...])
    c3 = (a1 * a2 * a3).astype(jnp.bfloat16)
    z = dot(c3, gblk_ref[...])
    a0 = dot(h0, u0e_ref[...])
    p = (a0 * z).astype(jnp.bfloat16)
    out_ref[...] = dot(p, sublk_ref[...])


def kernel(neighbour_h, U0, U1, U2, U3, G_i, G_o, G_u,
           Ui_output, Uo_output, Uu_output):
    n, d, h = neighbour_h.shape
    r = G_i.shape[0]
    r2, r3 = r * r, r * r * r
    nh2 = neighbour_h.reshape(n, d * h)

    def exp_cols(u, which):
        blocks = []
        for g in range(3):
            ug = u[:, r * g:r * g + r]
            if which == 'm':
                b = jnp.tile(ug, (1, r2))
            elif which == 'l':
                b = jnp.tile(jnp.repeat(ug, r, axis=1), (1, r))
            else:
                b = jnp.repeat(ug, r2, axis=1)
            blocks.append(b)
        return jnp.concatenate(blocks, axis=1)

    u1e = exp_cols(U1, 'm').astype(jnp.bfloat16)
    u2e = exp_cols(U2, 'l').astype(jnp.bfloat16)
    u3e = exp_cols(U3, 'k').astype(jnp.bfloat16)
    u0e = jnp.concatenate(
        [jnp.repeat(U0[:, r * g:r * g + r], r, axis=1) for g in range(3)],
        axis=1).astype(jnp.bfloat16)

    def gq(g):
        return jnp.transpose(g, (2, 3, 4, 0, 1)).reshape(r3, r2)

    gblk = jax.scipy.linalg.block_diag(
        gq(G_i), gq(G_o), gq(G_u)).astype(jnp.bfloat16)
    sublk = jax.scipy.linalg.block_diag(
        jnp.tile(Ui_output, (r, 1)),
        jnp.tile(Uo_output, (r, 1)),
        jnp.tile(Uu_output, (r, 1))).astype(jnp.bfloat16)

    bn = _N_BLOCK
    grid = (n // bn,)
    out = pl.pallas_call(
        _hosvd_body,
        grid=grid,
        in_specs=[
            pl.BlockSpec((bn, d * h), lambda i: (i, 0)),
            pl.BlockSpec(u0e.shape, lambda i: (0, 0)),
            pl.BlockSpec(u1e.shape, lambda i: (0, 0)),
            pl.BlockSpec(u2e.shape, lambda i: (0, 0)),
            pl.BlockSpec(u3e.shape, lambda i: (0, 0)),
            pl.BlockSpec(gblk.shape, lambda i: (0, 0)),
            pl.BlockSpec(sublk.shape, lambda i: (0, 0)),
        ],
        out_specs=pl.BlockSpec((bn, 3 * h), lambda i: (i, 0)),
        out_shape=jax.ShapeDtypeStruct((n, 3 * h), jnp.float32),
        compiler_params=pltpu.CompilerParams(
            dimension_semantics=("parallel",)),
    )(nh2, u0e, u1e, u2e, u3e, gblk, sublk)
    return out

# --- scband reference (transcript-rebuilt; emitter-appended) ---
"""Pipeline reference for scband-hosvdcell-57578331570342 (READ-ONLY COPY).

The authoritative reference and input builder live on the scoring server;
editing this copy changes nothing except your own understanding.
"""

import jax, jax.numpy as jnp
import numpy as np

N = 10000
H = 256   # h_size
D = 4     # max_output_degree
R = 8     # rank

def setup_inputs(seed: int = 0) -> dict:
    key = jax.random.key(seed)
    ks = jax.random.split(key, 12)
    inp = {}
    inp["neighbour_h"] = jax.random.normal(ks[0], (N, D, H), dtype=jnp.float32)
    # per-child factor matrices U_list[i]: (h_size, 3*rank), init th.rand -> uniform
    for i in range(D):
        inp[f"U{i}"] = jax.random.uniform(ks[1 + i], (H, 3 * R), dtype=jnp.float32)
    # HOSVD core tensors: rank^(max_output_degree+1)
    inp["G_i"] = jax.random.uniform(ks[5], (R,) * (D + 1), dtype=jnp.float32)
    inp["G_o"] = jax.random.uniform(ks[6], (R,) * (D + 1), dtype=jnp.float32)
    inp["G_u"] = jax.random.uniform(ks[7], (R,) * (D + 1), dtype=jnp.float32)
    inp["Ui_output"] = jax.random.uniform(ks[8], (R, H), dtype=jnp.float32)
    inp["Uo_output"] = jax.random.uniform(ks[9], (R, H), dtype=jnp.float32)
    inp["Uu_output"] = jax.random.uniform(ks[10], (R, H), dtype=jnp.float32)
    return inp

def reference(neighbour_h, U0, U1, U2, U3, G_i, G_o, G_u, Ui_output, Uo_output, Uu_output):
    Us = [U0, U1, U2, U3]
    n = neighbour_h.shape[0]
    # child 0
    h = neighbour_h[:, 0, :].reshape(n, -1)
    aux = jnp.matmul(h, Us[0])
    aux_i, aux_o, aux_u = jnp.split(aux, 3, axis=1)
    r_i = jnp.matmul(aux_i, G_i.reshape(R, -1))
    r_o = jnp.matmul(aux_o, G_o.reshape(R, -1))
    r_u = jnp.matmul(aux_u, G_u.reshape(R, -1))
    # children 1..D-1: sequential mode contractions (torch bmm)
    for i in range(1, D):
        h = neighbour_h[:, i, :].reshape(n, -1)
        aux = jnp.matmul(h, Us[i])
        aux_i, aux_o, aux_u = jnp.split(aux, 3, axis=1)
        r_i = jnp.matmul(r_i.reshape(n, -1, R), aux_i.reshape(n, R, 1))
        r_o = jnp.matmul(r_o.reshape(n, -1, R), aux_o.reshape(n, R, 1))
        r_u = jnp.matmul(r_u.reshape(n, -1, R), aux_u.reshape(n, R, 1))
    # after D-1 contractions r_* is (n, R, 1); collapse trailing dim for output projection
    gate_i = jnp.matmul(r_i.reshape(n, R), Ui_output)
    gate_o = jnp.matmul(r_o.reshape(n, R), Uo_output)
    gate_u = jnp.matmul(r_u.reshape(n, R), Uu_output)
    return jnp.concatenate((gate_i, gate_o, gate_u), axis=1)

if __name__ == "__main__":
    import jax
    _d = setup_inputs()
    print(jax.jit(kernel)(*tuple(_d.values())))

</pallas_src>

<mosaic_0001>
module attributes {stable_mosaic.version = 14 : i64} {
  func.func @_hosvd_body(%arg0: i32, %arg1: memref<1000x1024xf32, #tpu.memory_space<vmem>>, %arg2: memref<256x192xbf16, #tpu.memory_space<vmem>>, %arg3: memref<256x1536xbf16, #tpu.memory_space<vmem>>, %arg4: memref<256x1536xbf16, #tpu.memory_space<vmem>>, %arg5: memref<256x1536xbf16, #tpu.memory_space<vmem>>, %arg6: memref<1536x192xbf16, #tpu.memory_space<vmem>>, %arg7: memref<192x768xbf16, #tpu.memory_space<vmem>>, %arg8: memref<1000x768xf32, #tpu.memory_space<vmem>>) attributes {dimension_semantics = [#tpu.dimension_semantics<parallel>], iteration_bounds = array<i64: 10>, scalar_prefetch = 0 : i64, scratch_operands = 0 : i64, tpu.core_type = #tpu.core_type<tc>, window_params = [{transform_indices = @transform_0, window_bounds = array<i64: 1000, 1024>}, {pipeline_mode = #tpu.pipeline_mode<synchronous>, transform_indices = @transform_1, window_bounds = array<i64: 256, 192>}, {pipeline_mode = #tpu.pipeline_mode<synchronous>, transform_indices = @transform_2, window_bounds = array<i64: 256, 1536>}, {pipeline_mode = #tpu.pipeline_mode<synchronous>, transform_indices = @transform_3, window_bounds = array<i64: 256, 1536>}, {pipeline_mode = #tpu.pipeline_mode<synchronous>, transform_indices = @transform_4, window_bounds = array<i64: 256, 1536>}, {pipeline_mode = #tpu.pipeline_mode<synchronous>, transform_indices = @transform_5, window_bounds = array<i64: 1536, 192>}, {pipeline_mode = #tpu.pipeline_mode<synchronous>, transform_indices = @transform_6, window_bounds = array<i64: 192, 768>}, {transform_indices = @transform_7, window_bounds = array<i64: 1000, 768>}]} {
    %get3A = arith.constant 0 : index
    %get3A_0 = arith.constant 0 : index
    %get3A_1 = vector.load %arg1[%get3A, %get3A_0] : memref<1000x1024xf32, #tpu.memory_space<vmem>>, vector<1000x1024xf32>
    %convert_element_type3A = arith.truncf %get3A_1 : vector<1000x1024xf32> to vector<1000x1024xbf16>
    %slice3A = vector.extract_strided_slice %convert_element_type3A {offsets = [0, 0], sizes = [1000, 256], strides = [1, 1]} : vector<1000x1024xbf16> to vector<1000x256xbf16>
    %slice3A_2 = vector.extract_strided_slice %convert_element_type3A {offsets = [0, 256], sizes = [1000, 256], strides = [1, 1]} : vector<1000x1024xbf16> to vector<1000x256xbf16>
    %slice3A_3 = vector.extract_strided_slice %convert_element_type3A {offsets = [0, 512], sizes = [1000, 256], strides = [1, 1]} : vector<1000x1024xbf16> to vector<1000x256xbf16>
    %slice3A_4 = vector.extract_strided_slice %convert_element_type3A {offsets = [0, 768], sizes = [1000, 256], strides = [1, 1]} : vector<1000x1024xbf16> to vector<1000x256xbf16>
    %get3A_5 = arith.constant 0 : index
    %get3A_6 = arith.constant 0 : index
    %get3A_7 = vector.load %arg3[%get3A_5, %get3A_6] : memref<256x1536xbf16, #tpu.memory_space<vmem>>, vector<256x1536xbf16>
    %dot_general3A = arith.constant dense<0.000000e+00> : vector<1000x1536xf32>
    %dot_general3A_8 = tpu.matmul %slice3A_2, %get3A_7, %dot_general3A {dimension_numbers = #tpu.dot_dimension_numbers<[1], [0], [0], [1], [0, 0, 1, 1], [], []>, transpose_lhs_hint = false} : vector<1000x256xbf16>, vector<256x1536xbf16>, vector<1000x1536xf32> -> vector<1000x1536xf32>
    %get3A_9 = arith.constant 0 : index
    %get3A_10 = arith.constant 0 : index
    %get3A_11 = vector.load %arg4[%get3A_9, %get3A_10] : memref<256x1536xbf16, #tpu.memory_space<vmem>>, vector<256x1536xbf16>
    %dot_general3A_12 = arith.constant dense<0.000000e+00> : vector<1000x1536xf32>
    %dot_general3A_13 = tpu.matmul %slice3A_3, %get3A_11, %dot_general3A_12 {dimension_numbers = #tpu.dot_dimension_numbers<[1], [0], [0], [1], [0, 0, 1, 1], [], []>, transpose_lhs_hint = false} : vector<1000x256xbf16>, vector<256x1536xbf16>, vector<1000x1536xf32> -> vector<1000x1536xf32>
    %get3A_14 = arith.constant 0 : index
    %get3A_15 = arith.constant 0 : index
    %get3A_16 = vector.load %arg5[%get3A_14, %get3A_15] : memref<256x1536xbf16, #tpu.memory_space<vmem>>, vector<256x1536xbf16>
    %dot_general3A_17 = arith.constant dense<0.000000e+00> : vector<1000x1536xf32>
    %dot_general3A_18 = tpu.matmul %slice3A_4, %get3A_16, %dot_general3A_17 {dimension_numbers = #tpu.dot_dimension_numbers<[1], [0], [0], [1], [0, 0, 1, 1], [], []>, transpose_lhs_hint = false} : vector<1000x256xbf16>, vector<256x1536xbf16>, vector<1000x1536xf32> -> vector<1000x1536xf32>
    %mul3A = arith.mulf %dot_general3A_8, %dot_general3A_13 : vector<1000x1536xf32>
    %mul3A_19 = arith.mulf %mul3A, %dot_general3A_18 : vector<1000x1536xf32>
    %convert_element_type3A_20 = arith.truncf %mul3A_19 : vector<1000x1536xf32> to vector<1000x1536xbf16>
    %get3A_21 = arith.constant 0 : index
    %get3A_22 = arith.constant 0 : index
    %get3A_23 = vector.load %arg6[%get3A_21, %get3A_22] : memref<1536x192xbf16, #tpu.memory_space<vmem>>, vector<1536x192xbf16>
    %dot_general3A_24 = arith.constant dense<0.000000e+00> : vector<1000x192xf32>
    %dot_general3A_25 = tpu.matmul %convert_element_type3A_20, %get3A_23, %dot_general3A_24 {dimension_numbers = #tpu.dot_dimension_numbers<[1], [0], [0], [1], [0, 0, 1, 1], [], []>, transpose_lhs_hint = false} : vector<1000x1536xbf16>, vector<1536x192xbf16>, vector<1000x192xf32> -> vector<1000x192xf32>
    %get3A_26 = arith.constant 0 : index
    %get3A_27 = arith.constant 0 : index
    %get3A_28 = vector.load %arg2[%get3A_26, %get3A_27] : memref<256x192xbf16, #tpu.memory_space<vmem>>, vector<256x192xbf16>
    %dot_general3A_29 = arith.constant dense<0.000000e+00> : vector<1000x192xf32>
    %dot_general3A_30 = tpu.matmul %slice3A, %get3A_28, %dot_general3A_29 {dimension_numbers = #tpu.dot_dimension_numbers<[1], [0], [0], [1], [0, 0, 1, 1], [], []>, transpose_lhs_hint = false} : vector<1000x256xbf16>, vector<256x192xbf16>, vector<1000x192xf32> -> vector<1000x192xf32>
    %mul3A_31 = arith.mulf %dot_general3A_30, %dot_general3A_25 : vector<1000x192xf32>
    %convert_element_type3A_32 = arith.truncf %mul3A_31 : vector<1000x192xf32> to vector<1000x192xbf16>
    %get3A_33 = arith.constant 0 : index
    %get3A_34 = arith.constant 0 : index
    %get3A_35 = vector.load %arg7[%get3A_33, %get3A_34] : memref<192x768xbf16, #tpu.memory_space<vmem>>, vector<192x768xbf16>
    %dot_general3A_36 = arith.constant dense<0.000000e+00> : vector<1000x768xf32>
    %dot_general3A_37 = tpu.matmul %convert_element_type3A_32, %get3A_35, %dot_general3A_36 {dimension_numbers = #tpu.dot_dimension_numbers<[1], [0], [0], [1], [0, 0, 1, 1], [], []>, transpose_lhs_hint = false} : vector<1000x192xbf16>, vector<192x768xbf16>, vector<1000x768xf32> -> vector<1000x768xf32>
    %swap3A = arith.constant 0 : index
    %swap3A_38 = arith.constant 0 : index
    %swap3A_39 = vector.load %arg8[%swap3A, %swap3A_38] : memref<1000x768xf32, #tpu.memory_space<vmem>>, vector<1000x768xf32>
    tpu.vector_store %arg8[%swap3A, %swap3A_38], %dot_general3A_37 {strides = array<i32>} : memref<1000x768xf32, #tpu.memory_space<vmem>>, vector<1000x768xf32>,
    return
  }
  func.func @transform_0(%arg0: i32) -> (i32, i32) {
    %c0_i32 = arith.constant 0 : i32
    %c0_i32_0 = arith.constant 0 : i32
    return %arg0, %c0_i32 : i32, i32
  }
  func.func @transform_1(%arg0: i32) -> (i32, i32) {
    %c0_i32 = arith.constant 0 : i32
    %c0_i32_0 = arith.constant 0 : i32
    %c0_i32_1 = arith.constant 0 : i32
    return %c0_i32, %c0_i32_0 : i32, i32
  }
  func.func @transform_2(%arg0: i32) -> (i32, i32) {
    %c0_i32 = arith.constant 0 : i32
    %c0_i32_0 = arith.constant 0 : i32
    %c0_i32_1 = arith.constant 0 : i32
    return %c0_i32, %c0_i32_0 : i32, i32
  }
  func.func @transform_3(%arg0: i32) -> (i32, i32) {
    %c0_i32 = arith.constant 0 : i32
    %c0_i32_0 = arith.constant 0 : i32
    %c0_i32_1 = arith.constant 0 : i32
    return %c0_i32, %c0_i32_0 : i32, i32
  }
  func.func @transform_4(%arg0: i32) -> (i32, i32) {
    %c0_i32 = arith.constant 0 : i32
    %c0_i32_0 = arith.constant 0 : i32
    %c0_i32_1 = arith.constant 0 : i32
    return %c0_i32, %c0_i32_0 : i32, i32
  }
  func.func @transform_5(%arg0: i32) -> (i32, i32) {
    %c0_i32 = arith.constant 0 : i32
    %c0_i32_0 = arith.constant 0 : i32
    %c0_i32_1 = arith.constant 0 : i32
    return %c0_i32, %c0_i32_0 : i32, i32
  }
  func.func @transform_6(%arg0: i32) -> (i32, i32) {
    %c0_i32 = arith.constant 0 : i32
    %c0_i32_0 = arith.constant 0 : i32
    %c0_i32_1 = arith.constant 0 : i32
    return %c0_i32, %c0_i32_0 : i32, i32
  }
  func.func @transform_7(%arg0: i32) -> (i32, i32) {
    %c0_i32 = arith.constant 0 : i32
    %c0_i32_0 = arith.constant 0 : i32
    return %arg0, %c0_i32 : i32, i32
  }
}

</mosaic_0001>

<sc_bundles>
// kernel: sparse-core-data-format-call.cloned.1.call-start
scs
called_computation_lowered:
.L_overlay_start_0:
0x0: {  	s2 =	sld [smem:$0x3FD9]  }
0x1: {  	s3 =	sld [smem:$0x3FFE];
	_ =	sdelay $0x1  }
0x2: {  	s1 =	srdreg.scid  }
0x3: {  	s0 =	sand.u32 $0x1, s1  }
0x4: {  	s18 =	sshll.u32 s0, $0xA;
	s2 =	sadd.s32 s3, s2  }
0x5: {  	s2 =	sadd.s32 s2, s18  }
0x6: {  	[smem:$0x3FBD] =	sst s2  }
0x7: {  	_ = 	snop  }
0x8: {  	s2 =	sld [smem:$0x3FC9];
	(tm) =	ssettm $0x1  }
0x9: {  	s19 =	sld [smem:$0x3FFB];
	_ =	sdelay $0x3  }
0xa: {  	_ =	strace s19  }
0xb: {  	s3 =	sld [smem:$0x3FFC];
	_ =	sdelay $0x3  }
0xc: {  	_ =	strace s3  }
0xd: {  	s3 =	sld [smem:$0x3FFD];
	_ =	sdelay $0x3  }
0xe: {  	_ =	strace s3  }
0xf: {  	_ =	strace $0x8FFFFFFF  }
0x10: {  	s20 =	sld [smem:$0x3FDB];
	_ =	sdelay $0x1  }
0x11: {  	s4 =	simm.s32 $_scs_section_size  }
0x12: {  	s5 =	simm.s32 $_size__tile_overlayer_lowered;
	s6 =	simm.s32 $_tile_overlayer_lowered  }
0x13: {  	s23 =	simm.s32 $0x1BFF;
	s22 =	sshll.u32 s6, $0x1;
	s3 =	sadd.s32 s4, s20  }
0x14: {  	s7 =	simm.s32 $0x0;
	s21 =	sshll.u32 s5, $0x1;
	s5 =	sadd.s32 s22, s3  }
0x15: {  	[timem:s7], [sflag:s23] =	dma.local [hbm:s5], s21  }
0x16: {  	_ =	swait.ge [sflag:s23], s21  }
0x17: {  	s4 =	ssub.s32 $0x0, s21;
	[sflag:s23] =	ssyncset.done $0x0  }
0x18: {  	[sflag:s23] =	ssyncadd.s32 s4;
	_ =	sdelay $0x1  }
0x19: {  	s24 =	simm.s32 $0x1B8B  }
0x1a: {  	_ =	swait.ge [sflag:s24], $0x1  }
0x1b: {  	[sflag:s24] =	ssyncset.done $0x0  }
0x1c: {  	s26 =	simm.s32 $0x1B8E;
	s25 =	sld [smem:$0x3FFE];
	[sflag:s24] =	ssyncadd.s32 $0xFFFFFFFF  }
0x1d: {  	s27 =	simm.s32 $execute0_lowered;
	[smem:$0x3FD2] =	sst s26  }
0x1e: {  	s5 =	sshll.u32 s27, $0x1;
	_ =	strace $0x80000046;
	[dreg:$0x1] =	wrdreg $0xFFFFFFFF  }
0x1f: {  	s28 =	simm.s32 $_size_execute0_lowered;
	s3 =	sadd.s32 s3, s5;
	[dreg:$0x0] =	wrdreg $0x0  }
0x20: {  	s5 =	sshll.u32 s28, $0x1;
	[dreg:$0x2] =	wrdreg s3  }
0x21: {  	[dreg:$0x3] =	wrdreg s5  }
0x22: {  	[dreg:$0x4] =	wrdreg $0xC0  }
0x23: {  	_ =	task [dreg:s7], $0x5FFFF  }
0x24: {  	[dreg:$0x1] =	wrdreg $0xFFFFFFFF  }
0x25: {  	[dreg:$0x0] =	wrdreg $0x60  }
0x26: {  	[dreg:$0x2] =	wrdreg s2  }
0x27: {  	[dreg:$0x3] =	wrdreg s25  }
0x28: {  	[dreg:$0x4] =	wrdreg $0x9  }
0x29: {  	_ =	task.clear_ibuf [dreg:s7], $0x5FFFF;
	_ =	strace $0x90000046  }
0x2a: {  	s29 =	simm.s32 $0x9;
	_ =	strace $0x80000048  }
0x2b: {  	_ =	swait.ge [sflag:s29], $0x1  }
0x2c: {  	[sflag:s29] =	ssyncadd.s32 $0xFFFFFFFF  }
0x2d: {  	_ =	strace $0x90000048  }
0x2e: {  	_ =	sfence  }
0x2f: {  	s30 =	sld [smem:$0x0];
	_ =	sdelay $0x2  }
0x30: {  	s31 =	sshll.u32 s1, $0xD;
	s1 =	sshrl.u32 s1, $0x2  }
0x31: {  	s3 =	sand.u32 $0x4000, s31;
	s1 =	sadd.s32 s1, s30  }
0x32: {  	s0 =	sor.u32 s3, s0;
	s1 =	sshll.u32 s1, $0x11  }
0x33: {  	s0 =	sor.u32 s1, s0  }
0x34: {  	s0 =	sadd.s32 $0x8F2B, s0  }
0x35: {  	[sflag:s0] =	ssyncadd.remote.s32 $0x1  }
0x36: {  	_ =	sfence.sel $0xFFFF  }
0x37: {  	[dreg:$0x0] =	wrdreg $0xFFFFFFFF;
	(pc) =	sbr.abs _section_cstart, $3  }
0x38: {  	[dreg:$0x1] =	wrdreg $0xFFFFFFFF  }
0x39: {  	_ =	task.clear_ibuf [dreg:s7], $0x2FFFF;
	_ =	strace $0x9FFFFFFF  }
0x3a: {  	(tm) =	ssettm $0x7FFFFFFF  }
0x3b: {  	_ =	shalt  }
tec
execute0_lowered:
.L_overlay_start_1:
0x0: {  	(tag) =	ssettag $0x1  }
0x1: {  	s0 =	srdreg.scid  }
0x2: {  	s1 =	sshll.u32 s0, $0x4  }
0x3: {  	s2 =	rddreg [dreg:$0x0];
	s0 =	stileid.u32;
	s1 =	sand.u32 $0x10, s1  }
0x4: {  	s4 =	rddreg [dreg:$0x1];
	s7 =	simm.s32 $0x1;
	s1 =	sor.u32 s0, s1  }
0x5: {  	s8 =	simm.s32 $0x2;
	s9 =	simm.s32 $0x0;
	s3 =	sshll.u32 s1, $0x1  }
0x6: {  	s12 =	simm.s32 $0x0;
	s11 =	simm.s32 $0x0;
	s6 =	ssub.s32 $0x4E2, s3  }
.Ltmp0:
0x7: {  	s4 =	sadd.s32 $0x2800, s4;
	s5 =	sand.u32 $0x3E, s6;
	(pc) =	sbr.rel .LBB1_1-.Ltmp0, $4  }
0x8: {  	s1 =	rddreg [dreg:$0x2];
	_ =	strace $0x80000047;
	p0 =	sne.s32 s5, $0x0  }
0x9: {  	s6 =	sshrl.u32 s6, $0x6;
	s5 =	simm.s32 $0x1;
	s7 =	simm.s32 @!p0 $0x0  }
0xa: {  	s10 =	smov.u32 s3;
	[sflag:s5] =	ssyncpa.u1 $0x0;
	s6 =	sadd.s32 s7, s6  }
0xb: {  	[sflag:s8] =	ssyncpa.u1 $0x0;
	s8 =	simm.s32 $0x0;
	s7 =	sadd.s32 $0x1, s6  }
.LBB1_9:
0xc: {  	s14 =	sadd.s32 $0x40, s10  }
0xd: {  	p1 =	sgt.s32 s14, $0x4E1  }
0xe: {  	s14 =	smov.u32 @p1 s3;
	p1 =	sne.s32 s11, s7  }
.Ltmp1:
0xf: {  	p0 =	slt.u32 s11, $0x2;
	(pc) =	sbr.rel @!p1 .LBB1_10-.Ltmp1, $4  }
0x10: {  	s13 =	simm.s32 @!p0 $0x2  }
0x11: {  	s15 =	sadd.s32 $0x1, s11;
	_ =	swait.ge @!p0 [sflag:s13], $0x4000  }
0x12: {  	s12 =	smov.u32 s10;
	s9 =	sadd.s32 $0x4000, s9;
	[sflag:s13] =	ssyncset.done @!p0 $0x0  }
0x13: {  	s11 =	smov.u32 s15;
	s10 =	smov.u32 s14;
	[sflag:s13] =	ssyncadd.s32 @!p0 $0xFFFFC000  }
.LBB1_1:
0x14: {  	p0 =	sge.u32 s11, s6  }
0x15: {  	s13 =	sxor.u32 @!p0 $0xFFFFFFFF, s11  }
0x16: {  	s31 =	sadd.s32 $0xFFFFFFFF, s11;
	s14 =	sshll.u32 @!p0 s10, $0xA;
	s13 =	sshll.u32 @!p0 s13, $0xE  }
0x17: {  	s15 =	simm.s32 @!p0 $0x0;
	s14 =	sadd.s32 @!p0 s2, s14;
	s13 =	sand.u32 @!p0 $0x4000, s13  }
0x18: {  	[tilespmem:s13], [sflag:$0x1] =	stream.linear.gather @!p0 [hbm4b:s14+s15], $0x4000, $0x38;
	[tilespmem:$0x10000] =	vst v63  }
0x19: {  	p0 =	sge.u32 s31, s6  }
.Ltmp2:
0x1a: {  	_ = 	snop;
	(pc) =	sbr.rel @p0 .LBB1_9-.Ltmp2, $1  }
0x1b: {  	_ =	sdelay $0x3  }
0x1c: {  	s13 =	sshll.u32 s9, $0x2  }
0x1d: {  	_ =	swait.ge [sflag:s5], $0x4000;
	s14 =	sshll.u32 s11, $0xE;
	s18 =	simm.s32 $0x0  }
0x1e: {  	p1 =	por $0x1, $0x1;
	s13 =	sand.u32 $0x10000, s13;
	[sflag:s5] =	ssyncset.done $0x0  }
0x1f: {  	s15 =	sand.u32 $0x4000, s14;
	s13 =	sshrl.u32 s13, $0x2;
	[sflag:s5] =	ssyncadd.s32 $0xFFFFC000  }
0x20: {  	s14 =	sor.u32 $0x8000, s15;
	s16 =	sor.u32 $0x8000, s13;
	s17 =	sadd.s32 $0x8400, s13  }
.LBB1_3:
0x21: {  	s19 =	sshll.u32 s18, $0x2  }
0x22: {  	s19 =	sshrl.u32 s19, $0x2  }
0x23: {  	v0 =	vmov s19;
	_ =	sdelay $0x2  }
0x24: {  	p0 =	por p1, p1;
	p1 =	por $0x0, $0x0;
	s20 =	simm.s32 $0x0  }
0x25: {  	s21 =	smov.u32 s13;
	s22 =	simm.s32 $0x0;
	s19 =	smov.u32 s16  }
.LBB1_4:
0x26: {  	_ =	sdelay $0x3  }
0x27: {  	v2 =	vld.idx.msk [tilespmem:v0+s21+$0x10 ss:$0x1], $0xffff  }
0x28: {  	v3 =	vld.idx.msk [tilespmem:v0+s21+$0x270 ss:$0x1], $0xffff  }
0x29: {  	s23 =	sshll.u32 s22, $0xA;
	v5 =	vld.idx.msk [tilespmem:v0+s21+$0x20 ss:$0x1], $0xffff  }
0x2a: {  	v8 =	vld.idx.msk [tilespmem:v0+s21+$0x30 ss:$0x1], $0xffff;
	s23 =	sadd.s32 s18, s23  }
0x2b: {  	v9 =	vld.idx.msk [tilespmem:v0+s21+$0x40 ss:$0x1], $0xffff;
	v1 =	vmov s23  }
0x2c: {  	s30 =	simm.s32 $0x0;
	v10 =	vld.idx.msk [tilespmem:v0+s21+$0x50 ss:$0x1], $0xffff  }
0x2d: {  	v11 =	vld.idx.msk [tilespmem:v0+s21+$0x60 ss:$0x1], $0xffff;
	s24 =	sand.u32 $0x100, s30  }
0x2e: {  	v12 =	vld.idx.msk [tilespmem:v0+s21+$0x70 ss:$0x1], $0xffff;
	s23 =	sand.u32 $0x80, s30;
	s24 =	sadd.s32 s24, s15;
	[tilespmem:v0+s19+$0x470 ss:$0x1] =	vst.idx.msk $0xffff, v3  }
0x2f: {  	v7 =	vld.idx.msk [tilespmem:v0+s21+$0x210 ss:$0x1], $0xffff;
	s23 =	sadd.s32 s23, s24;
	s24 =	simm.s32 $0x1;
	[tilespmem:v0+s19+$0x10 ss:$0x1] =	vst.idx.msk $0xffff, v2  }
0x30: {  	s31 =	sshll.u32 s20, $0x2;
	s24 =	simm.s32 @!p1 $0x0;
	[tilespmem:v0+s19+$0x20 ss:$0x1] =	vst.idx.msk $0xffff, v5;
	v4 =	vld.idx.msk [tilespmem:v1+s23+$0x200 ss:$0x1], $0xffff  }
0x31: {  	v6 =	vld.idx.msk [tilespmem:v0+s21+$0x220 ss:$0x1], $0xffff;
	s24 =	sshll.u32 s24, $0x9;
	[tilespmem:v0+s19+$0x30 ss:$0x1] =	vst.idx.msk $0xffff, v8;
	s23 =	sand.u32 $0xFFFFFC00, s31  }
0x32: {  	v3 =	vld.idx.msk [tilespmem:v0+s21+$0x230 ss:$0x1], $0xffff;
	[tilespmem:v0+s19+$0x40 ss:$0x1] =	vst.idx.msk $0xffff, v9;
	s23 =	sor.u32 s24, s23  }
0x33: {  	[tilespmem:v0+s19+$0x50 ss:$0x1] =	vst.idx.msk $0xffff, v10;
	v5 =	vld.idx.msk [tilespmem:v0+s21+$0x250 ss:$0x1], $0xffff;
	s23 =	sshrl.u32 s23, $0x2  }
0x34: {  	[tilespmem:v0+s19+$0x60 ss:$0x1] =	vst.idx.msk $0xffff, v11;
	v2 =	vld.idx.msk [tilespmem:v0+s21+$0x260 ss:$0x1], $0xffff;
	s23 =	sadd.s32 s23, s17  }
0x35: {  	s27 =	simm.s32 $0x80;
	s26 =	simm.s32 $0x100;
	[tilespmem:v0+s23+$0x0 ss:$0x1] =	vst.idx.msk $0xffff, v4;
	v4 =	vld.idx.msk [tilespmem:v0+s21+$0x240 ss:$0x1], $0xffff  }
0x36: {  	s25 =	smov.u32 s19;
	s28 =	sand.u32 $0x100, s27;
	v8 =	vld.idx.msk [tilespmem:v0+s21+$0x0 ss:$0x1], $0xffff;
	[tilespmem:v0+s19+$0x70 ss:$0x1] =	vst.idx.msk $0xffff, v12;
	s24 =	sadd.s32 $0x80, s21  }
.LBB1_5:
0x37: {  	p2 =	sne.s32 s26, $0x180;
	v9 =	vld.idx.msk [tilespmem:v0+s24+$0x10 ss:$0x1], $0xffff;
	s27 =	sand.u32 $0x80, s27;
	s28 =	sadd.s32 s28, s15;
	[tilespmem:v0+s25+$0x410 ss:$0x1] =	vst.idx.msk $0xffff, v7  }
0x38: {  	s28 =	sadd.s32 s27, s28;
	v7 =	vld.idx.msk [tilespmem:v0+s24+$0x270 ss:$0x1], $0xffff;
	[tilespmem:v0+s25+$0x420 ss:$0x1] =	vst.idx.msk $0xffff, v6;
	s27 =	smov.u32 s26  }
0x39: {  	v6 =	vld.idx.msk [tilespmem:v1+s28+$0x200 ss:$0x1], $0xffff;
	[tilespmem:v0+s25+$0x430 ss:$0x1] =	vst.idx.msk $0xffff, v3  }
0x3a: {  	v3 =	vld.idx.msk [tilespmem:v0+s24+$0x20 ss:$0x1], $0xffff;
	[tilespmem:v0+s25+$0x440 ss:$0x1] =	vst.idx.msk $0xffff, v4  }
0x3b: {  	v4 =	vld.idx.msk [tilespmem:v0+s24+$0x30 ss:$0x1], $0xffff;
	[tilespmem:v0+s25+$0x450 ss:$0x1] =	vst.idx.msk $0xffff, v5  }
0x3c: {  	v5 =	vld.idx.msk [tilespmem:v0+s24+$0x40 ss:$0x1], $0xffff;
	[tilespmem:v0+s25+$0x0 ss:$0x1] =	vst.idx.msk $0xffff, v8  }
0x3d: {  	v8 =	vld.idx.msk [tilespmem:v0+s24+$0x50 ss:$0x1], $0xffff;
	[tilespmem:v0+s25+$0x460 ss:$0x1] =	vst.idx.msk $0xffff, v2;
	s25 =	sadd.s32 $0x800, s25  }
0x3e: {  	s23 =	sadd.s32 $0x800, s23;
	v2 =	vld.idx.msk [tilespmem:v0+s24+$0x60 ss:$0x1], $0xffff;
	[tilespmem:v0+s25+$0x470 ss:$0x1] =	vst.idx.msk $0xffff, v7  }
0x3f: {  	v10 =	vld.idx.msk [tilespmem:v0+s24+$0x70 ss:$0x1], $0xffff;
	[tilespmem:v0+s23+$0x0 ss:$0x1] =	vst.idx.msk $0xffff, v6  }
0x40: {  	[tilespmem:v0+s25+$0x10 ss:$0x1] =	vst.idx.msk $0xffff, v9;
	v7 =	vld.idx.msk [tilespmem:v0+s24+$0x210 ss:$0x1], $0xffff  }
0x41: {  	[tilespmem:v0+s25+$0x20 ss:$0x1] =	vst.idx.msk $0xffff, v3;
	v6 =	vld.idx.msk [tilespmem:v0+s24+$0x220 ss:$0x1], $0xffff  }
.Ltmp3:
0x42: {  	[tilespmem:v0+s25+$0x30 ss:$0x1] =	vst.idx.msk $0xffff, v4;
	v3 =	vld.idx.msk [tilespmem:v0+s24+$0x230 ss:$0x1], $0xffff;
	(pc) =	sbr.rel @p2 .LBB1_5-.Ltmp3, $4  }
0x43: {  	[tilespmem:v0+s25+$0x40 ss:$0x1] =	vst.idx.msk $0xffff, v5;
	v4 =	vld.idx.msk [tilespmem:v0+s24+$0x240 ss:$0x1], $0xffff  }
0x44: {  	[tilespmem:v0+s25+$0x50 ss:$0x1] =	vst.idx.msk $0xffff, v8;
	v5 =	vld.idx.msk [tilespmem:v0+s24+$0x250 ss:$0x1], $0xffff  }
0x45: {  	[tilespmem:v0+s25+$0x60 ss:$0x1] =	vst.idx.msk $0xffff, v2;
	v2 =	vld.idx.msk [tilespmem:v0+s24+$0x260 ss:$0x1], $0xffff  }
0x46: {  	s26 =	sadd.s32 $0x80, s26;
	s28 =	sand.u32 $0x100, s27;
	v8 =	vld.idx.msk [tilespmem:v0+s24+$0x0 ss:$0x1], $0xffff;
	[tilespmem:v0+s25+$0x70 ss:$0x1] =	vst.idx.msk $0xffff, v10;
	s24 =	sadd.s32 $0x80, s24  }
0x47: {  	_ =	sdelay $0x3  }
0x48: {  	[tilespmem:v0+s25+$0x410 ss:$0x1] =	vst.idx.msk $0xffff, v7  }
0x49: {  	[tilespmem:v0+s25+$0x420 ss:$0x1] =	vst.idx.msk $0xffff, v6  }
0x4a: {  	v56 =	vld.idx.msk [tilespmem:v0+s24+$0x270 ss:$0x1], $0xffff;
	[tilespmem:v0+s25+$0x430 ss:$0x1] =	vst.idx.msk $0xffff, v3  }
0x4b: {  	v3 =	vld.idx.msk [tilespmem:v0+s24+$0x10 ss:$0x1], $0xffff;
	[tilespmem:v0+s25+$0x440 ss:$0x1] =	vst.idx.msk $0xffff, v4  }
0x4c: {  	v57 =	vld.idx.msk [tilespmem:v0+s24+$0x20 ss:$0x1], $0xffff;
	[tilespmem:v0+s25+$0x450 ss:$0x1] =	vst.idx.msk $0xffff, v5  }
0x4d: {  	s26 =	sand.u32 $0x80, s27;
	s30 =	sadd.s32 s28, s15;
	v58 =	vld.idx.msk [tilespmem:v0+s24+$0x30 ss:$0x1], $0xffff;
	[tilespmem:v0+s25+$0x460 ss:$0x1] =	vst.idx.msk $0xffff, v2  }
0x4e: {  	s31 =	sadd.s32 $0x800, s25;
	v59 =	vld.idx.msk [tilespmem:v0+s24+$0x50 ss:$0x1], $0xffff;
	s26 =	sadd.s32 s26, s30;
	[tilespmem:v0+s25+$0x0 ss:$0x1] =	vst.idx.msk $0xffff, v8  }
0x4f: {  	v1 =	vld.idx.msk [tilespmem:v1+s26+$0x200 ss:$0x1], $0xffff;
	[tilespmem:v0+s31+$0x470 ss:$0x1] =	vst.idx.msk $0xffff, v56  }
0x50: {  	v60 =	vld.idx.msk [tilespmem:v0+s24+$0x210 ss:$0x1], $0xffff;
	[tilespmem:v0+s31+$0x10 ss:$0x1] =	vst.idx.msk $0xffff, v3  }
0x51: {  	v61 =	vld.idx.msk [tilespmem:v0+s24+$0x220 ss:$0x1], $0xffff;
	[tilespmem:v0+s31+$0x20 ss:$0x1] =	vst.idx.msk $0xffff, v57  }
0x52: {  	v2 =	vld.idx.msk [tilespmem:v0+s24+$0x40 ss:$0x1], $0xffff;
	[tilespmem:v0+s31+$0x30 ss:$0x1] =	vst.idx.msk $0xffff, v58  }
0x53: {  	s23 =	sadd.s32 $0x800, s23;
	v3 =	vld.idx.msk [tilespmem:v0+s24+$0x70 ss:$0x1], $0xffff;
	[tilespmem:v0+s31+$0x50 ss:$0x1] =	vst.idx.msk $0xffff, v59  }
0x54: {  	[tilespmem:v0+s23+$0x0 ss:$0x1] =	vst.idx.msk $0xffff, v1;
	v1 =	vld.idx.msk [tilespmem:v0+s24+$0x60 ss:$0x1], $0xffff  }
0x55: {  	v62 =	vld.idx.msk [tilespmem:v0+s24+$0x240 ss:$0x1], $0xffff;
	[tilespmem:v0+s31+$0x410 ss:$0x1] =	vst.idx.msk $0xffff, v60  }
0x56: {  	v63 =	vld.idx.msk [tilespmem:v0+s24+$0x260 ss:$0x1], $0xffff;
	[tilespmem:v0+s31+$0x420 ss:$0x1] =	vst.idx.msk $0xffff, v61  }
0x57: {  	[tilespmem:v0+s31+$0x40 ss:$0x1] =	vst.idx.msk $0xffff, v2;
	v2 =	vld.idx.msk [tilespmem:v0+s24+$0x230 ss:$0x1], $0xffff  }
0x58: {  	s22 =	sadd.s32 $0x1, s22;
	[tilespmem:v0+s31+$0x70 ss:$0x1] =	vst.idx.msk $0xffff, v3;
	v3 =	vld.idx.msk [tilespmem:v0+s24+$0x0 ss:$0x1], $0xffff  }
0x59: {  	p2 =	sne.s32 s22, $0x8;
	[tilespmem:v0+s31+$0x60 ss:$0x1] =	vst.idx.msk $0xffff, v1;
	v1 =	vld.idx.msk [tilespmem:v0+s24+$0x250 ss:$0x1], $0xffff  }
.Ltmp4:
0x5a: {  	[tilespmem:v0+s31+$0x440 ss:$0x1] =	vst.idx.msk $0xffff, v62;
	(pc) =	sbr.rel @p2 .LBB1_4-.Ltmp4, $4  }
0x5b: {  	[tilespmem:v0+s31+$0x460 ss:$0x1] =	vst.idx.msk $0xffff, v63  }
0x5c: {  	[tilespmem:v0+s31+$0x430 ss:$0x1] =	vst.idx.msk $0xffff, v2  }
0x5d: {  	s21 =	sadd.s32 $0x400, s21;
	[tilespmem:v0+s31+$0x0 ss:$0x1] =	vst.idx.msk $0xffff, v3  }
0x5e: {  	s20 =	sadd.s32 $0x80, s20;
	p1 =	por !p1, !p1;
	s19 =	sadd.s32 $0x80, s19;
	[tilespmem:v0+s31+$0x450 ss:$0x1] =	vst.idx.msk $0xffff, v1  }
.Ltmp5:
0x5f: {  	(pc) =	sbr.rel @p0 .LBB1_3-.Ltmp5, $2  }
0x60: {  	_ =	sdelay $0x2  }
0x61: {  	s18 =	simm.s32 $0x2000;
	p1 =	por $0x0, $0x0  }
.Ltmp6:
0x62: {  	(pc) =	sbr.rel .LBB1_9-.Ltmp6, $4  }
0x63: {  	_ = 	snop  }
0x64: {  	s12 =	sshll.u32 s12, $0xA  }
0x65: {  	s12 =	sadd.s32 s4, s12  }
0x66: {  	[hbm4b:s12+s8] =	stream.linear.scatter [tilespmem:s14], [sflag:$0x2], $0x4000, $0x38;
	[tilespmem:$0x10000] =	vst v63  }
.LBB1_10:
0x67: {  	_ =	sfence.sel $0x180000  }
0x68: {  	s2 =	simm.s32 $0x1;
	[bflag:$0x0] =	sbarrier.arrive $0xFFFF  }
0x69: {  	s31 =	simm.s32 $0x2;
	[sflag:s2] =	ssyncpa.u1 $0x1  }
0x6a: {  	[sflag:s31] =	ssyncpa.u1 $0x1  }
0x6b: {  	p0 =	sne.s32 s0, $0x0;
	_ =	strace $0x90000047  }
0x6c: {  	s0 =	sadd.s32 @!p0 $0x100000, s1;
	[bflag:$0x2] =	sbarrier.arrive $0xFFFF  }
0x6d: {  	[sflag:s0] =	ssyncadd.tile.s32 @!p0 $0x1;
	_ =	shalt  }
.Lfunc_end1:
_tile_overlayer_lowered:
.L_overlay_start_2:
0x6e: {  	(tag) =	ssettag $0x2  }
0x6f: {  	s0 =	rddreg [dreg:$0x0];
	s2 =	stileid.u32  }
0x70: {  	s1 =	rddreg [dreg:$0x1];
	p0 =	sne.s32 s2, $0x0  }
0x71: {  	s3 =	rddreg [dreg:$0x2];
	[bflag:$0x3] =	sbarrier.arrive $0xFFFF;
	s2 =	simm.s32 @!p0 $0x1C01  }
0x72: {  	[timem:s3], [sflag:s2] =	dma.local @!p0 [hbm:s0], s1  }
0x73: {  	s0 =	simm.s32 @!p0 $0x1  }
0x74: {  	_ =	swait.ge @!p0 [sflag:s0], s1  }
0x75: {  	s1 =	ssub.s32 @!p0 $0x0, s1;
	[sflag:s0] =	ssyncset.done @!p0 $0x0  }
0x76: {  	[sflag:s0] =	ssyncadd.s32 @!p0 s1  }
0x77: {  	[bflag:$0x3] =	sbarrier.arrive $0xFFFF  }
0x78: {  	_ =	shalt  }

</sc_bundles>
